<compile_context>
chip_gen: v7x
topology: tpu7x:2x2x1
jax: 0.10.2.dev20260603
libtpu: 0.0.44.dev20260713+nightly
codegen_flags: <defaults>
</compile_context>

<pallas_src>
import functools

import jax
import jax.numpy as jnp
from jax import lax
from jax.experimental import pallas as pl
from jax.experimental.pallas import tpu as pltpu
from jax.experimental.pallas import tpu_sc as plsc

VOCAB = 1_000_000
D = 64
DP = 128
B = 4096
T = 200

NC = 2
NS = 16
NW = NC * NS
RPW = B // NW

W = 16384

CH0, CH1 = 128, 72

L = 16
NV = D // L
SCALE = 1.0 / T


def _xpose_body(x_ref, o_ref):
  x = x_ref[...]
  r = lax.broadcasted_iota(jnp.int32, (D, D), 0)
  c = lax.broadcasted_iota(jnp.int32, (D, D), 1)
  eye = (r == c).astype(jnp.float32)
  xt = lax.dot_general(x, eye, (((0,), (0,)), ((), ())),
                       preferred_element_type=jnp.float32)
  o_ref[...] = jnp.concatenate([xt, xt], axis=1)


def _gather_body(tok_hbm, table_hbm, out_hbm, idx_v, buf_v, out_v, sem):
  wid = lax.axis_index("s") * NC + lax.axis_index("c")
  base = wid * RPW

  pltpu.sync_copy(tok_hbm.at[pl.ds(base, RPW)], idx_v)

  def issue(r, sl):
    pltpu.async_copy(
        table_hbm.at[idx_v.at[r, pl.ds(0, CH0)]],
        buf_v.at[sl, pl.ds(0, CH0)], sem)
    pltpu.async_copy(
        table_hbm.at[idx_v.at[r, pl.ds(CH0, CH1)]],
        buf_v.at[sl, pl.ds(CH0, CH1)], sem)

  def drain(r, sl):
    pltpu.make_async_copy(
        table_hbm.at[idx_v.at[r, pl.ds(0, CH0)]],
        buf_v.at[sl, pl.ds(0, CH0)], sem).wait()
    pltpu.make_async_copy(
        table_hbm.at[idx_v.at[r, pl.ds(CH0, CH1)]],
        buf_v.at[sl, pl.ds(CH0, CH1)], sem).wait()

  issue(0, 0)

  def do_row(r, _):
    sl = lax.rem(r, 2)
    drain(r, sl)

    @pl.when(r + 1 < RPW)
    def _prefetch():
      issue(r + 1, 1 - sl)

    def acc_grp(tg, accs):
      upd = accs
      for dt in range(8):
        t = tg * 8 + dt
        upd = tuple(upd[c] + buf_v[sl, t, pl.ds(c * L, L)] for c in range(NV))
      return upd

    zeros = tuple(jnp.zeros((L,), jnp.float32) for _ in range(NV))
    accs = lax.fori_loop(0, T // 8, acc_grp, zeros)
    for c in range(NV):
      out_v[r, pl.ds(c * L, L)] = accs[c] * SCALE
    return ()

  lax.fori_loop(0, RPW, do_row, ())

  pltpu.sync_copy(out_v, out_hbm.at[pl.ds(base, RPW)])


@functools.partial(jax.jit, static_argnames=())
def _encoder(token_ids, table):
  nblk = (VOCAB + W - 1) // W
  xpose = pl.pallas_call(
      _xpose_body,
      grid=(nblk,),
      in_specs=[pl.BlockSpec((D, W), lambda i: (0, i))],
      out_specs=pl.BlockSpec((W, DP), lambda i: (i, 0)),
      out_shape=jax.ShapeDtypeStruct((VOCAB, DP), jnp.float32),
      compiler_params=pltpu.CompilerParams(
          dimension_semantics=("arbitrary",)),
  )
  table_rm = xpose(table.T)

  mesh = plsc.VectorSubcoreMesh(
      core_axis_name="c", subcore_axis_name="s", num_cores=NC,
      num_subcores=NS)
  gather = pl.kernel(
      _gather_body,
      out_type=jax.ShapeDtypeStruct((B, D), jnp.float32),
      mesh=mesh,
      scratch_types=[
          pltpu.VMEM((RPW, T), jnp.int32),
          pltpu.VMEM((2, T, DP), jnp.float32),
          pltpu.VMEM((RPW, D), jnp.float32),
          pltpu.SemaphoreType.DMA,
      ],
  )
  return gather(token_ids, table_rm)


def kernel(token_ids, table):
  return _encoder(token_ids.astype(jnp.int32), table)

# --- scband reference (transcript-rebuilt; emitter-appended) ---
"""Pipeline reference for scband-instruction-encoder-4638564680177 (READ-ONLY COPY).

The authoritative reference and input builder live on the scoring server;
editing this copy changes nothing except your own understanding.
"""

import jax, jax.numpy as jnp
import numpy as np

VOCAB = 1000000
EMBED_DIM = 64
B = 4096
T = 200

def setup_inputs(seed: int = 0) -> dict:
    key = jax.random.key(seed)
    k1, k2 = jax.random.split(key)
    token_ids = jax.random.randint(k1, (B, T), 0, VOCAB, dtype=jnp.int64 if jax.config.jax_enable_x64 else jnp.int32)
    # nn.Embedding default init: N(0, 1)
    table = jax.random.normal(k2, (VOCAB, EMBED_DIM), dtype=jnp.float32)
    return {"token_ids": token_ids, "table": table}

def reference(token_ids, table):
    # embedding lookup (gather) then mean pooling over the token dimension
    emb = jnp.take(table, token_ids, axis=0)  # [B, T, D]
    return emb.mean(axis=1)  # [B, D]

if __name__ == "__main__":
    import jax
    _d = setup_inputs()
    print(jax.jit(kernel)(*tuple(_d.values())))

</pallas_src>

<mosaic_0001>
#map = affine_map<(d0, d1) -> (0, 0)>
module attributes {stable_mosaic.version = 14 : i64} {
  func.func @_gather_body(%arg0: i32, %arg1: i32, %arg2: memref<4096x200xi32, #tpu.memory_space<hbm>>, %arg3: memref<1000000x128xf32, #tpu.memory_space<hbm>>, %arg4: memref<4096x64xf32, #tpu.memory_space<hbm>>, %arg5: memref<128x200xi32, #tpu.memory_space<vmem>>, %arg6: memref<2x200x128xf32, #tpu.memory_space<vmem>>, %arg7: memref<128x64xf32, #tpu.memory_space<vmem>>, %arg8: memref<!tpu.dma_semaphore, #tpu.memory_space<semaphore_mem>>) attributes {dimension_semantics = [#tpu.dimension_semantics<core_parallel>, #tpu.dimension_semantics<subcore_parallel>], iteration_bounds = array<i64: 2, 16>, scalar_prefetch = 0 : i64, scratch_operands = 4 : i64, tpu.core_type = #tpu.core_type<sc_vector_subcore>, window_params = [{transform_indices = #map}, {transform_indices = #map}, {transform_indices = #map}]} {
    %mul3A = arith.constant 2 : i32
    %mul3A_0 = arith.muli %arg1, %mul3A : i32
    %add3A = arith.addi %mul3A_0, %arg0 : i32
    %mul3A_1 = arith.constant 128 : i32
    %mul3A_2 = arith.muli %add3A, %mul3A_1 : i32
    "tpu.region"() ({
      %run_scoped3A = tpu.sem_alloc : memref<!tpu.dma_semaphore, #tpu.memory_space<semaphore_mem>>
      %dma_start3A_30 = arith.constant 0 : i32
      %dma_start3A_31 = tpu.memref_slice %arg2[%mul3A_2, %dma_start3A_30] : memref<4096x200xi32, #tpu.memory_space<hbm>> -> memref<128x200xi32, #tpu.memory_space<hbm>>
      %dma_start3A_32 = arith.constant 0 : i32
      %dma_start3A_33 = tpu.memref_slice %arg2[%mul3A_2, %dma_start3A_32] : memref<4096x200xi32, #tpu.memory_space<hbm>> -> memref<128x200xi32, #tpu.memory_space<hbm>>
      tpu.enqueue_dma source(%dma_start3A_33 : memref<128x200xi32, #tpu.memory_space<hbm>>) target(%arg5 : memref<128x200xi32, #tpu.memory_space<vmem>>) target_semaphore(%run_scoped3A : memref<!tpu.dma_semaphore, #tpu.memory_space<semaphore_mem>>)
      %dma_wait3A = arith.constant 0 : i32
      %dma_wait3A_34 = tpu.memref_slice %arg2[%mul3A_2, %dma_wait3A] : memref<4096x200xi32, #tpu.memory_space<hbm>> -> memref<128x200xi32, #tpu.memory_space<hbm>>
      %dma_wait3A_35 = arith.constant 0 : i32
      %dma_wait3A_36 = tpu.memref_slice %arg2[%mul3A_2, %dma_wait3A_35] : memref<4096x200xi32, #tpu.memory_space<hbm>> -> memref<128x200xi32, #tpu.memory_space<hbm>>
      tpu.wait_dma2 semaphore(%run_scoped3A : memref<!tpu.dma_semaphore, #tpu.memory_space<semaphore_mem>>) src(%dma_wait3A_36 : memref<128x200xi32, #tpu.memory_space<hbm>>) dst(%arg5 : memref<128x200xi32, #tpu.memory_space<vmem>>)
      tpu.yield
    }) : () -> ()
    %dma_start3A = arith.constant 0 : i32
    %dma_start3A_3 = arith.constant 0 : i32
    %dma_start3A_4 = arith.constant 0 : i32
    %dma_start3A_5 = arith.constant 0 : i32
    %dma_start3A_6 = tpu.memref_slice %arg6[%dma_start3A_3, %dma_start3A_4, %dma_start3A_5] : memref<2x200x128xf32, #tpu.memory_space<vmem>> -> memref<1x128x128xf32, #tpu.memory_space<vmem>>
    %dma_start3A_7 = tpu.memref_squeeze %dma_start3A_6 : memref<1x128x128xf32, #tpu.memory_space<vmem>> -> memref<128x128xf32, #tpu.memory_space<vmem>>
    %dma_start3A_8 = arith.constant 0 : i32
    %dma_start3A_9 = tpu.memref_slice %arg5[%dma_start3A, %dma_start3A_8] : memref<128x200xi32, #tpu.memory_space<vmem>> -> memref<1x128xi32, #tpu.memory_space<vmem>>
    %dma_start3A_10 = tpu.memref_squeeze %dma_start3A_9 : memref<1x128xi32, #tpu.memory_space<vmem>> -> memref<128xi32, #tpu.memory_space<vmem>>
    %dma_start3A_11 = arith.constant 0 : i32
    %dma_start3A_12 = arith.constant 0 : i32
    %dma_start3A_13 = tpu.memref_slice %arg3[%dma_start3A_11, %dma_start3A_12] : memref<1000000x128xf32, #tpu.memory_space<hbm>> -> memref<1000000x128xf32, #tpu.memory_space<hbm>>
    tpu.enqueue_indirect_dma source(%dma_start3A_13 : memref<1000000x128xf32, #tpu.memory_space<hbm>>) target(%dma_start3A_7 : memref<128x128xf32, #tpu.memory_space<vmem>>) offsets(%dma_start3A_10 : memref<128xi32, #tpu.memory_space<vmem>>) semaphore(%arg8 : memref<!tpu.dma_semaphore, #tpu.memory_space<semaphore_mem>>)
    %dma_start3A_14 = arith.constant 0 : i32
    %dma_start3A_15 = arith.constant 0 : i32
    %dma_start3A_16 = arith.constant 128 : i32
    %dma_start3A_17 = arith.constant 0 : i32
    %dma_start3A_18 = tpu.memref_slice %arg6[%dma_start3A_15, %dma_start3A_16, %dma_start3A_17] : memref<2x200x128xf32, #tpu.memory_space<vmem>> -> memref<1x72x128xf32, #tpu.memory_space<vmem>>
    %dma_start3A_19 = tpu.memref_squeeze %dma_start3A_18 : memref<1x72x128xf32, #tpu.memory_space<vmem>> -> memref<72x128xf32, #tpu.memory_space<vmem>>
    %dma_start3A_20 = arith.constant 128 : i32
    %dma_start3A_21 = tpu.memref_slice %arg5[%dma_start3A_14, %dma_start3A_20] : memref<128x200xi32, #tpu.memory_space<vmem>> -> memref<1x72xi32, #tpu.memory_space<vmem>>
    %dma_start3A_22 = tpu.memref_squeeze %dma_start3A_21 : memref<1x72xi32, #tpu.memory_space<vmem>> -> memref<72xi32, #tpu.memory_space<vmem>>
    %dma_start3A_23 = arith.constant 0 : i32
    %dma_start3A_24 = arith.constant 0 : i32
    %dma_start3A_25 = tpu.memref_slice %arg3[%dma_start3A_23, %dma_start3A_24] : memref<1000000x128xf32, #tpu.memory_space<hbm>> -> memref<1000000x128xf32, #tpu.memory_space<hbm>>
    tpu.enqueue_indirect_dma source(%dma_start3A_25 : memref<1000000x128xf32, #tpu.memory_space<hbm>>) target(%dma_start3A_19 : memref<72x128xf32, #tpu.memory_space<vmem>>) offsets(%dma_start3A_22 : memref<72xi32, #tpu.memory_space<vmem>>) semaphore(%arg8 : memref<!tpu.dma_semaphore, #tpu.memory_space<semaphore_mem>>)
    %scan3A = arith.constant 0 : i32
    %scan3A_26 = arith.constant 128 : i32
    %scan3A_27 = arith.addi %scan3A, %scan3A_26 : i32
    %scan3A_28 = arith.constant 1 : i32
    scf.for %scan3A_30 = %scan3A to %scan3A_27 step %scan3A_28  : i32 {
      %rem3A = arith.constant 2 : i32
      %rem3A_31 = arith.remsi %scan3A_30, %rem3A : i32
      %dma_wait3A = arith.constant 0 : i32
      %dma_wait3A_32 = arith.constant 0 : i32
      %dma_wait3A_33 = tpu.memref_slice %arg6[%rem3A_31, %dma_wait3A, %dma_wait3A_32] : memref<2x200x128xf32, #tpu.memory_space<vmem>> -> memref<1x128x128xf32, #tpu.memory_space<vmem>>
      %dma_wait3A_34 = tpu.memref_squeeze %dma_wait3A_33 : memref<1x128x128xf32, #tpu.memory_space<vmem>> -> memref<128x128xf32, #tpu.memory_space<vmem>>
      %dma_wait3A_35 = arith.constant 0 : i32
      %dma_wait3A_36 = tpu.memref_slice %arg5[%scan3A_30, %dma_wait3A_35] : memref<128x200xi32, #tpu.memory_space<vmem>> -> memref<1x128xi32, #tpu.memory_space<vmem>>
      %dma_wait3A_37 = tpu.memref_squeeze %dma_wait3A_36 : memref<1x128xi32, #tpu.memory_space<vmem>> -> memref<128xi32, #tpu.memory_space<vmem>>
      %dma_wait3A_38 = arith.constant 0 : i32
      %dma_wait3A_39 = arith.constant 0 : i32
      %dma_wait3A_40 = tpu.memref_slice %arg3[%dma_wait3A_38, %dma_wait3A_39] : memref<1000000x128xf32, #tpu.memory_space<hbm>> -> memref<1000000x128xf32, #tpu.memory_space<hbm>>
      tpu.wait_indirect_dma semaphore(%arg8 : memref<!tpu.dma_semaphore, #tpu.memory_space<semaphore_mem>>) src(%dma_wait3A_40 : memref<1000000x128xf32, #tpu.memory_space<hbm>>) dst(%dma_wait3A_34 : memref<128x128xf32, #tpu.memory_space<vmem>>)
      %dma_wait3A_41 = arith.constant 128 : i32
      %dma_wait3A_42 = arith.constant 0 : i32
      %dma_wait3A_43 = tpu.memref_slice %arg6[%rem3A_31, %dma_wait3A_41, %dma_wait3A_42] : memref<2x200x128xf32, #tpu.memory_space<vmem>> -> memref<1x72x128xf32, #tpu.memory_space<vmem>>
      %dma_wait3A_44 = tpu.memref_squeeze %dma_wait3A_43 : memref<1x72x128xf32, #tpu.memory_space<vmem>> -> memref<72x128xf32, #tpu.memory_space<vmem>>
      %dma_wait3A_45 = arith.constant 128 : i32
      %dma_wait3A_46 = tpu.memref_slice %arg5[%scan3A_30, %dma_wait3A_45] : memref<128x200xi32, #tpu.memory_space<vmem>> -> memref<1x72xi32, #tpu.memory_space<vmem>>
      %dma_wait3A_47 = tpu.memref_squeeze %dma_wait3A_46 : memref<1x72xi32, #tpu.memory_space<vmem>> -> memref<72xi32, #tpu.memory_space<vmem>>
      %dma_wait3A_48 = arith.constant 0 : i32
      %dma_wait3A_49 = arith.constant 0 : i32
      %dma_wait3A_50 = tpu.memref_slice %arg3[%dma_wait3A_48, %dma_wait3A_49] : memref<1000000x128xf32, #tpu.memory_space<hbm>> -> memref<1000000x128xf32, #tpu.memory_space<hbm>>
      tpu.wait_indirect_dma semaphore(%arg8 : memref<!tpu.dma_semaphore, #tpu.memory_space<semaphore_mem>>) src(%dma_wait3A_50 : memref<1000000x128xf32, #tpu.memory_space<hbm>>) dst(%dma_wait3A_44 : memref<72x128xf32, #tpu.memory_space<vmem>>)
      %add3A_51 = arith.constant 1 : i32
      %add3A_52 = arith.addi %scan3A_30, %add3A_51 : i32
      %lt3A = arith.constant 128 : i32
      %lt3A_53 = arith.cmpi slt, %add3A_52, %lt3A : i32
      %convert_element_type3A = arith.extui %lt3A_53 : i1 to i32
      %cond3A = arith.constant 0 : i32
      %cond3A_54 = arith.cmpi ne, %convert_element_type3A, %cond3A : i32
      scf.if %cond3A_54 {
        %add3A_99 = arith.constant 1 : i32
        %add3A_100 = arith.addi %scan3A_30, %add3A_99 : i32
        %sub3A = arith.constant 1 : i32
        %sub3A_101 = arith.subi %sub3A, %rem3A_31 : i32
        %dma_start3A_102 = arith.constant 0 : i32
        %dma_start3A_103 = arith.constant 0 : i32
        %dma_start3A_104 = tpu.memref_slice %arg6[%sub3A_101, %dma_start3A_102, %dma_start3A_103] : memref<2x200x128xf32, #tpu.memory_space<vmem>> -> memref<1x128x128xf32, #tpu.memory_space<vmem>>
        %dma_start3A_105 = tpu.memref_squeeze %dma_start3A_104 : memref<1x128x128xf32, #tpu.memory_space<vmem>> -> memref<128x128xf32, #tpu.memory_space<vmem>>
        %dma_start3A_106 = arith.constant 0 : i32
        %dma_start3A_107 = tpu.memref_slice %arg5[%add3A_100, %dma_start3A_106] : memref<128x200xi32, #tpu.memory_space<vmem>> -> memref<1x128xi32, #tpu.memory_space<vmem>>
        %dma_start3A_108 = tpu.memref_squeeze %dma_start3A_107 : memref<1x128xi32, #tpu.memory_space<vmem>> -> memref<128xi32, #tpu.memory_space<vmem>>
        %dma_start3A_109 = arith.constant 0 : i32
        %dma_start3A_110 = arith.constant 0 : i32
        %dma_start3A_111 = tpu.memref_slice %arg3[%dma_start3A_109, %dma_start3A_110] : memref<1000000x128xf32, #tpu.memory_space<hbm>> -> memref<1000000x128xf32, #tpu.memory_space<hbm>>
        tpu.enqueue_indirect_dma source(%dma_start3A_111 : memref<1000000x128xf32, #tpu.memory_space<hbm>>) target(%dma_start3A_105 : memref<128x128xf32, #tpu.memory_space<vmem>>) offsets(%dma_start3A_108 : memref<128xi32, #tpu.memory_space<vmem>>) semaphore(%arg8 : memref<!tpu.dma_semaphore, #tpu.memory_space<semaphore_mem>>)
        %dma_start3A_112 = arith.constant 128 : i32
        %dma_start3A_113 = arith.constant 0 : i32
        %dma_start3A_114 = tpu.memref_slice %arg6[%sub3A_101, %dma_start3A_112, %dma_start3A_113] : memref<2x200x128xf32, #tpu.memory_space<vmem>> -> memref<1x72x128xf32, #tpu.memory_space<vmem>>
        %dma_start3A_115 = tpu.memref_squeeze %dma_start3A_114 : memref<1x72x128xf32, #tpu.memory_space<vmem>> -> memref<72x128xf32, #tpu.memory_space<vmem>>
        %dma_start3A_116 = arith.constant 128 : i32
        %dma_start3A_117 = tpu.memref_slice %arg5[%add3A_100, %dma_start3A_116] : memref<128x200xi32, #tpu.memory_space<vmem>> -> memref<1x72xi32, #tpu.memory_space<vmem>>
        %dma_start3A_118 = tpu.memref_squeeze %dma_start3A_117 : memref<1x72xi32, #tpu.memory_space<vmem>> -> memref<72xi32, #tpu.memory_space<vmem>>
        %dma_start3A_119 = arith.constant 0 : i32
        %dma_start3A_120 = arith.constant 0 : i32
        %dma_start3A_121 = tpu.memref_slice %arg3[%dma_start3A_119, %dma_start3A_120] : memref<1000000x128xf32, #tpu.memory_space<hbm>> -> memref<1000000x128xf32, #tpu.memory_space<hbm>>
        tpu.enqueue_indirect_dma source(%dma_start3A_121 : memref<1000000x128xf32, #tpu.memory_space<hbm>>) target(%dma_start3A_115 : memref<72x128xf32, #tpu.memory_space<vmem>>) offsets(%dma_start3A_118 : memref<72xi32, #tpu.memory_space<vmem>>) semaphore(%arg8 : memref<!tpu.dma_semaphore, #tpu.memory_space<semaphore_mem>>)
      } else {
      }
      %broadcast_in_dim3A = arith.constant 0.000000e+00 : f32
      %broadcast_in_dim3A_55 = vector.broadcast %broadcast_in_dim3A : f32 to vector<16xf32>
      %broadcast_in_dim3A_56 = arith.constant 0.000000e+00 : f32
      %broadcast_in_dim3A_57 = vector.broadcast %broadcast_in_dim3A_56 : f32 to vector<16xf32>
      %broadcast_in_dim3A_58 = arith.constant 0.000000e+00 : f32
      %broadcast_in_dim3A_59 = vector.broadcast %broadcast_in_dim3A_58 : f32 to vector<16xf32>
      %broadcast_in_dim3A_60 = arith.constant 0.000000e+00 : f32
      %broadcast_in_dim3A_61 = vector.broadcast %broadcast_in_dim3A_60 : f32 to vector<16xf32>
      %scan3A_62 = arith.constant 0 : i32
      %scan3A_63 = arith.constant 25 : i32
      %scan3A_64 = arith.addi %scan3A_62, %scan3A_63 : i32
      %scan3A_65 = arith.constant 1 : i32
      %scan3A_66:4 = scf.for %scan3A_99 = %scan3A_62 to %scan3A_64 step %scan3A_65 iter_args(%scan3A_100 = %broadcast_in_dim3A_55, %scan3A_101 = %broadcast_in_dim3A_57, %scan3A_102 = %broadcast_in_dim3A_59, %scan3A_103 = %broadcast_in_dim3A_61) -> (vector<16xf32>, vector<16xf32>, vector<16xf32>, vector<16xf32>)  : i32 {
        %mul3A_104 = arith.constant 8 : i32
        %mul3A_105 = arith.muli %scan3A_99, %mul3A_104 : i32
        %add3A_106 = arith.constant 0 : i32
        %add3A_107 = arith.addi %mul3A_105, %add3A_106 : i32
        %get3A = arith.index_cast %rem3A_31 : i32 to index
        %get3A_108 = arith.index_cast %add3A_107 : i32 to index
        %get3A_109 = arith.constant 0 : index
        %get3A_110 = tpu.vector_load %arg6[%get3A, %get3A_108, %get3A_109] {strides = array<i32>} : memref<2x200x128xf32, #tpu.memory_space<vmem>>, vector<1x1x16xf32>,
        %get3A_111 = vector.shape_cast %get3A_110 : vector<1x1x16xf32> to vector<16xf32>
        %add3A_112 = arith.addf %scan3A_100, %get3A_111 : vector<16xf32>
        %get3A_113 = arith.index_cast %rem3A_31 : i32 to index
        %get3A_114 = arith.index_cast %add3A_107 : i32 to index
        %get3A_115 = arith.constant 16 : index
        %get3A_116 = tpu.vector_load %arg6[%get3A_113, %get3A_114, %get3A_115] {strides = array<i32>} : memref<2x200x128xf32, #tpu.memory_space<vmem>>, vector<1x1x16xf32>,
        %get3A_117 = vector.shape_cast %get3A_116 : vector<1x1x16xf32> to vector<16xf32>
        %add3A_118 = arith.addf %scan3A_101, %get3A_117 : vector<16xf32>
        %get3A_119 = arith.index_cast %rem3A_31 : i32 to index
        %get3A_120 = arith.index_cast %add3A_107 : i32 to index
        %get3A_121 = arith.constant 32 : index
        %get3A_122 = tpu.vector_load %arg6[%get3A_119, %get3A_120, %get3A_121] {strides = array<i32>} : memref<2x200x128xf32, #tpu.memory_space<vmem>>, vector<1x1x16xf32>,
        %get3A_123 = vector.shape_cast %get3A_122 : vector<1x1x16xf32> to vector<16xf32>
        %add3A_124 = arith.addf %scan3A_102, %get3A_123 : vector<16xf32>
        %get3A_125 = arith.index_cast %rem3A_31 : i32 to index
        %get3A_126 = arith.index_cast %add3A_107 : i32 to index
        %get3A_127 = arith.constant 48 : index
        %get3A_128 = tpu.vector_load %arg6[%get3A_125, %get3A_126, %get3A_127] {strides = array<i32>} : memref<2x200x128xf32, #tpu.memory_space<vmem>>, vector<1x1x16xf32>,
        %get3A_129 = vector.shape_cast %get3A_128 : vector<1x1x16xf32> to vector<16xf32>
        %add3A_130 = arith.addf %scan3A_103, %get3A_129 : vector<16xf32>
        %mul3A_131 = arith.constant 8 : i32
        %mul3A_132 = arith.muli %scan3A_99, %mul3A_131 : i32
        %add3A_133 = arith.constant 1 : i32
        %add3A_134 = arith.addi %mul3A_132, %add3A_133 : i32
        %get3A_135 = arith.index_cast %rem3A_31 : i32 to index
        %get3A_136 = arith.index_cast %add3A_134 : i32 to index
        %get3A_137 = arith.constant 0 : index
        %get3A_138 = tpu.vector_load %arg6[%get3A_135, %get3A_136, %get3A_137] {strides = array<i32>} : memref<2x200x128xf32, #tpu.memory_space<vmem>>, vector<1x1x16xf32>,
        %get3A_139 = vector.shape_cast %get3A_138 : vector<1x1x16xf32> to vector<16xf32>
        %add3A_140 = arith.addf %add3A_112, %get3A_139 : vector<16xf32>
        %get3A_141 = arith.index_cast %rem3A_31 : i32 to index
        %get3A_142 = arith.index_cast %add3A_134 : i32 to index
        %get3A_143 = arith.constant 16 : index
        %get3A_144 = tpu.vector_load %arg6[%get3A_141, %get3A_142, %get3A_143] {strides = array<i32>} : memref<2x200x128xf32, #tpu.memory_space<vmem>>, vector<1x1x16xf32>,
        %get3A_145 = vector.shape_cast %get3A_144 : vector<1x1x16xf32> to vector<16xf32>
        %add3A_146 = arith.addf %add3A_118, %get3A_145 : vector<16xf32>
        %get3A_147 = arith.index_cast %rem3A_31 : i32 to index
        %get3A_148 = arith.index_cast %add3A_134 : i32 to index
        %get3A_149 = arith.constant 32 : index
        %get3A_150 = tpu.vector_load %arg6[%get3A_147, %get3A_148, %get3A_149] {strides = array<i32>} : memref<2x200x128xf32, #tpu.memory_space<vmem>>, vector<1x1x16xf32>,
        %get3A_151 = vector.shape_cast %get3A_150 : vector<1x1x16xf32> to vector<16xf32>
        %add3A_152 = arith.addf %add3A_124, %get3A_151 : vector<16xf32>
        %get3A_153 = arith.index_cast %rem3A_31 : i32 to index
        %get3A_154 = arith.index_cast %add3A_134 : i32 to index
        %get3A_155 = arith.constant 48 : index
        %get3A_156 = tpu.vector_load %arg6[%get3A_153, %get3A_154, %get3A_155] {strides = array<i32>} : memref<2x200x128xf32, #tpu.memory_space<vmem>>, vector<1x1x16xf32>,
        %get3A_157 = vector.shape_cast %get3A_156 : vector<1x1x16xf32> to vector<16xf32>
        %add3A_158 = arith.addf %add3A_130, %get3A_157 : vector<16xf32>
        %mul3A_159 = arith.constant 8 : i32
        %mul3A_160 = arith.muli %scan3A_99, %mul3A_159 : i32
        %add3A_161 = arith.constant 2 : i32
        %add3A_162 = arith.addi %mul3A_160, %add3A_161 : i32
        %get3A_163 = arith.index_cast %rem3A_31 : i32 to index
        %get3A_164 = arith.index_cast %add3A_162 : i32 to index
        %get3A_165 = arith.constant 0 : index
        %get3A_166 = tpu.vector_load %arg6[%get3A_163, %get3A_164, %get3A_165] {strides = array<i32>} : memref<2x200x128xf32, #tpu.memory_space<vmem>>, vector<1x1x16xf32>,
        %get3A_167 = vector.shape_cast %get3A_166 : vector<1x1x16xf32> to vector<16xf32>
        %add3A_168 = arith.addf %add3A_140, %get3A_167 : vector<16xf32>
        %get3A_169 = arith.index_cast %rem3A_31 : i32 to index
        %get3A_170 = arith.index_cast %add3A_162 : i32 to index
        %get3A_171 = arith.constant 16 : index
        %get3A_172 = tpu.vector_load %arg6[%get3A_169, %get3A_170, %get3A_171] {strides = array<i32>} : memref<2x200x128xf32, #tpu.memory_space<vmem>>, vector<1x1x16xf32>,
        %get3A_173 = vector.shape_cast %get3A_172 : vector<1x1x16xf32> to vector<16xf32>
        %add3A_174 = arith.addf %add3A_146, %get3A_173 : vector<16xf32>
        %get3A_175 = arith.index_cast %rem3A_31 : i32 to index
        %get3A_176 = arith.index_cast %add3A_162 : i32 to index
        %get3A_177 = arith.constant 32 : index
        %get3A_178 = tpu.vector_load %arg6[%get3A_175, %get3A_176, %get3A_177] {strides = array<i32>} : memref<2x200x128xf32, #tpu.memory_space<vmem>>, vector<1x1x16xf32>,
        %get3A_179 = vector.shape_cast %get3A_178 : vector<1x1x16xf32> to vector<16xf32>
        %add3A_180 = arith.addf %add3A_152, %get3A_179 : vector<16xf32>
        %get3A_181 = arith.index_cast %rem3A_31 : i32 to index
        %get3A_182 = arith.index_cast %add3A_162 : i32 to index
        %get3A_183 = arith.constant 48 : index
        %get3A_184 = tpu.vector_load %arg6[%get3A_181, %get3A_182, %get3A_183] {strides = array<i32>} : memref<2x200x128xf32, #tpu.memory_space<vmem>>, vector<1x1x16xf32>,
        %get3A_185 = vector.shape_cast %get3A_184 : vector<1x1x16xf32> to vector<16xf32>
        %add3A_186 = arith.addf %add3A_158, %get3A_185 : vector<16xf32>
        %mul3A_187 = arith.constant 8 : i32
        %mul3A_188 = arith.muli %scan3A_99, %mul3A_187 : i32
        %add3A_189 = arith.constant 3 : i32
        %add3A_190 = arith.addi %mul3A_188, %add3A_189 : i32
        %get3A_191 = arith.index_cast %rem3A_31 : i32 to index
        %get3A_192 = arith.index_cast %add3A_190 : i32 to index
        %get3A_193 = arith.constant 0 : index
        %get3A_194 = tpu.vector_load %arg6[%get3A_191, %get3A_192, %get3A_193] {strides = array<i32>} : memref<2x200x128xf32, #tpu.memory_space<vmem>>, vector<1x1x16xf32>,
        %get3A_195 = vector.shape_cast %get3A_194 : vector<1x1x16xf32> to vector<16xf32>
        %add3A_196 = arith.addf %add3A_168, %get3A_195 : vector<16xf32>
        %get3A_197 = arith.index_cast %rem3A_31 : i32 to index
        %get3A_198 = arith.index_cast %add3A_190 : i32 to index
        %get3A_199 = arith.constant 16 : index
        %get3A_200 = tpu.vector_load %arg6[%get3A_197, %get3A_198, %get3A_199] {strides = array<i32>} : memref<2x200x128xf32, #tpu.memory_space<vmem>>, vector<1x1x16xf32>,
        %get3A_201 = vector.shape_cast %get3A_200 : vector<1x1x16xf32> to vector<16xf32>
        %add3A_202 = arith.addf %add3A_174, %get3A_201 : vector<16xf32>
        %get3A_203 = arith.index_cast %rem3A_31 : i32 to index
        %get3A_204 = arith.index_cast %add3A_190 : i32 to index
        %get3A_205 = arith.constant 32 : index
        %get3A_206 = tpu.vector_load %arg6[%get3A_203, %get3A_204, %get3A_205] {strides = array<i32>} : memref<2x200x128xf32, #tpu.memory_space<vmem>>, vector<1x1x16xf32>,
        %get3A_207 = vector.shape_cast %get3A_206 : vector<1x1x16xf32> to vector<16xf32>
        %add3A_208 = arith.addf %add3A_180, %get3A_207 : vector<16xf32>
        %get3A_209 = arith.index_cast %rem3A_31 : i32 to index
        %get3A_210 = arith.index_cast %add3A_190 : i32 to index
        %get3A_211 = arith.constant 48 : index
        %get3A_212 = tpu.vector_load %arg6[%get3A_209, %get3A_210, %get3A_211] {strides = array<i32>} : memref<2x200x128xf32, #tpu.memory_space<vmem>>, vector<1x1x16xf32>,
        %get3A_213 = vector.shape_cast %get3A_212 : vector<1x1x16xf32> to vector<16xf32>
        %add3A_214 = arith.addf %add3A_186, %get3A_213 : vector<16xf32>
        %mul3A_215 = arith.constant 8 : i32
        %mul3A_216 = arith.muli %scan3A_99, %mul3A_215 : i32
        %add3A_217 = arith.constant 4 : i32
        %add3A_218 = arith.addi %mul3A_216, %add3A_217 : i32
        %get3A_219 = arith.index_cast %rem3A_31 : i32 to index
        %get3A_220 = arith.index_cast %add3A_218 : i32 to index
        %get3A_221 = arith.constant 0 : index
        %get3A_222 = tpu.vector_load %arg6[%get3A_219, %get3A_220, %get3A_221] {strides = array<i32>} : memref<2x200x128xf32, #tpu.memory_space<vmem>>, vector<1x1x16xf32>,
        %get3A_223 = vector.shape_cast %get3A_222 : vector<1x1x16xf32> to vector<16xf32>
        %add3A_224 = arith.addf %add3A_196, %get3A_223 : vector<16xf32>
        %get3A_225 = arith.index_cast %rem3A_31 : i32 to index
        %get3A_226 = arith.index_cast %add3A_218 : i32 to index
        %get3A_227 = arith.constant 16 : index
        %get3A_228 = tpu.vector_load %arg6[%get3A_225, %get3A_226, %get3A_227] {strides = array<i32>} : memref<2x200x128xf32, #tpu.memory_space<vmem>>, vector<1x1x16xf32>,
        %get3A_229 = vector.shape_cast %get3A_228 : vector<1x1x16xf32> to vector<16xf32>
        %add3A_230 = arith.addf %add3A_202, %get3A_229 : vector<16xf32>
        %get3A_231 = arith.index_cast %rem3A_31 : i32 to index
        %get3A_232 = arith.index_cast %add3A_218 : i32 to index
        %get3A_233 = arith.constant 32 : index
        %get3A_234 = tpu.vector_load %arg6[%get3A_231, %get3A_232, %get3A_233] {strides = array<i32>} : memref<2x200x128xf32, #tpu.memory_space<vmem>>, vector<1x1x16xf32>,
        %get3A_235 = vector.shape_cast %get3A_234 : vector<1x1x16xf32> to vector<16xf32>
        %add3A_236 = arith.addf %add3A_208, %get3A_235 : vector<16xf32>
        %get3A_237 = arith.index_cast %rem3A_31 : i32 to index
        %get3A_238 = arith.index_cast %add3A_218 : i32 to index
        %get3A_239 = arith.constant 48 : index
        %get3A_240 = tpu.vector_load %arg6[%get3A_237, %get3A_238, %get3A_239] {strides = array<i32>} : memref<2x200x128xf32, #tpu.memory_space<vmem>>, vector<1x1x16xf32>,
        %get3A_241 = vector.shape_cast %get3A_240 : vector<1x1x16xf32> to vector<16xf32>
        %add3A_242 = arith.addf %add3A_214, %get3A_241 : vector<16xf32>
        %mul3A_243 = arith.constant 8 : i32
        %mul3A_244 = arith.muli %scan3A_99, %mul3A_243 : i32
        %add3A_245 = arith.constant 5 : i32
        %add3A_246 = arith.addi %mul3A_244, %add3A_245 : i32
        %get3A_247 = arith.index_cast %rem3A_31 : i32 to index
        %get3A_248 = arith.index_cast %add3A_246 : i32 to index
        %get3A_249 = arith.constant 0 : index
        %get3A_250 = tpu.vector_load %arg6[%get3A_247, %get3A_248, %get3A_249] {strides = array<i32>} : memref<2x200x128xf32, #tpu.memory_space<vmem>>, vector<1x1x16xf32>,
        %get3A_251 = vector.shape_cast %get3A_250 : vector<1x1x16xf32> to vector<16xf32>
        %add3A_252 = arith.addf %add3A_224, %get3A_251 : vector<16xf32>
        %get3A_253 = arith.index_cast %rem3A_31 : i32 to index
        %get3A_254 = arith.index_cast %add3A_246 : i32 to index
        %get3A_255 = arith.constant 16 : index
        %get3A_256 = tpu.vector_load %arg6[%get3A_253, %get3A_254, %get3A_255] {strides = array<i32>} : memref<2x200x128xf32, #tpu.memory_space<vmem>>, vector<1x1x16xf32>,
        %get3A_257 = vector.shape_cast %get3A_256 : vector<1x1x16xf32> to vector<16xf32>
        %add3A_258 = arith.addf %add3A_230, %get3A_257 : vector<16xf32>
        %get3A_259 = arith.index_cast %rem3A_31 : i32 to index
        %get3A_260 = arith.index_cast %add3A_246 : i32 to index
        %get3A_261 = arith.constant 32 : index
        %get3A_262 = tpu.vector_load %arg6[%get3A_259, %get3A_260, %get3A_261] {strides = array<i32>} : memref<2x200x128xf32, #tpu.memory_space<vmem>>, vector<1x1x16xf32>,
        %get3A_263 = vector.shape_cast %get3A_262 : vector<1x1x16xf32> to vector<16xf32>
        %add3A_264 = arith.addf %add3A_236, %get3A_263 : vector<16xf32>
        %get3A_265 = arith.index_cast %rem3A_31 : i32 to index
        %get3A_266 = arith.index_cast %add3A_246 : i32 to index
        %get3A_267 = arith.constant 48 : index
        %get3A_268 = tpu.vector_load %arg6[%get3A_265, %get3A_266, %get3A_267] {strides = array<i32>} : memref<2x200x128xf32, #tpu.memory_space<vmem>>, vector<1x1x16xf32>,
        %get3A_269 = vector.shape_cast %get3A_268 : vector<1x1x16xf32> to vector<16xf32>
        %add3A_270 = arith.addf %add3A_242, %get3A_269 : vector<16xf32>
        %mul3A_271 = arith.constant 8 : i32
        %mul3A_272 = arith.muli %scan3A_99, %mul3A_271 : i32
        %add3A_273 = arith.constant 6 : i32
        %add3A_274 = arith.addi %mul3A_272, %add3A_273 : i32
        %get3A_275 = arith.index_cast %rem3A_31 : i32 to index
        %get3A_276 = arith.index_cast %add3A_274 : i32 to index
        %get3A_277 = arith.constant 0 : index
        %get3A_278 = tpu.vector_load %arg6[%get3A_275, %get3A_276, %get3A_277] {strides = array<i32>} : memref<2x200x128xf32, #tpu.memory_space<vmem>>, vector<1x1x16xf32>,
        %get3A_279 = vector.shape_cast %get3A_278 : vector<1x1x16xf32> to vector<16xf32>
        %add3A_280 = arith.addf %add3A_252, %get3A_279 : vector<16xf32>
        %get3A_281 = arith.index_cast %rem3A_31 : i32 to index
        %get3A_282 = arith.index_cast %add3A_274 : i32 to index
        %get3A_283 = arith.constant 16 : index
        %get3A_284 = tpu.vector_load %arg6[%get3A_281, %get3A_282, %get3A_283] {strides = array<i32>} : memref<2x200x128xf32, #tpu.memory_space<vmem>>, vector<1x1x16xf32>,
        %get3A_285 = vector.shape_cast %get3A_284 : vector<1x1x16xf32> to vector<16xf32>
        %add3A_286 = arith.addf %add3A_258, %get3A_285 : vector<16xf32>
        %get3A_287 = arith.index_cast %rem3A_31 : i32 to index
        %get3A_288 = arith.index_cast %add3A_274 : i32 to index
        %get3A_289 = arith.constant 32 : index
        %get3A_290 = tpu.vector_load %arg6[%get3A_287, %get3A_288, %get3A_289] {strides = array<i32>} : memref<2x200x128xf32, #tpu.memory_space<vmem>>, vector<1x1x16xf32>,
        %get3A_291 = vector.shape_cast %get3A_290 : vector<1x1x16xf32> to vector<16xf32>
        %add3A_292 = arith.addf %add3A_264, %get3A_291 : vector<16xf32>
        %get3A_293 = arith.index_cast %rem3A_31 : i32 to index
        %get3A_294 = arith.index_cast %add3A_274 : i32 to index
        %get3A_295 = arith.constant 48 : index
        %get3A_296 = tpu.vector_load %arg6[%get3A_293, %get3A_294, %get3A_295] {strides = array<i32>} : memref<2x200x128xf32, #tpu.memory_space<vmem>>, vector<1x1x16xf32>,
        %get3A_297 = vector.shape_cast %get3A_296 : vector<1x1x16xf32> to vector<16xf32>
        %add3A_298 = arith.addf %add3A_270, %get3A_297 : vector<16xf32>
        %mul3A_299 = arith.constant 8 : i32
        %mul3A_300 = arith.muli %scan3A_99, %mul3A_299 : i32
        %add3A_301 = arith.constant 7 : i32
        %add3A_302 = arith.addi %mul3A_300, %add3A_301 : i32
        %get3A_303 = arith.index_cast %rem3A_31 : i32 to index
        %get3A_304 = arith.index_cast %add3A_302 : i32 to index
        %get3A_305 = arith.constant 0 : index
        %get3A_306 = tpu.vector_load %arg6[%get3A_303, %get3A_304, %get3A_305] {strides = array<i32>} : memref<2x200x128xf32, #tpu.memory_space<vmem>>, vector<1x1x16xf32>,
        %get3A_307 = vector.shape_cast %get3A_306 : vector<1x1x16xf32> to vector<16xf32>
        %add3A_308 = arith.addf %add3A_280, %get3A_307 : vector<16xf32>
        %get3A_309 = arith.index_cast %rem3A_31 : i32 to index
        %get3A_310 = arith.index_cast %add3A_302 : i32 to index
        %get3A_311 = arith.constant 16 : index
        %get3A_312 = tpu.vector_load %arg6[%get3A_309, %get3A_310, %get3A_311] {strides = array<i32>} : memref<2x200x128xf32, #tpu.memory_space<vmem>>, vector<1x1x16xf32>,
        %get3A_313 = vector.shape_cast %get3A_312 : vector<1x1x16xf32> to vector<16xf32>
        %add3A_314 = arith.addf %add3A_286, %get3A_313 : vector<16xf32>
        %get3A_315 = arith.index_cast %rem3A_31 : i32 to index
        %get3A_316 = arith.index_cast %add3A_302 : i32 to index
        %get3A_317 = arith.constant 32 : index
        %get3A_318 = tpu.vector_load %arg6[%get3A_315, %get3A_316, %get3A_317] {strides = array<i32>} : memref<2x200x128xf32, #tpu.memory_space<vmem>>, vector<1x1x16xf32>,
        %get3A_319 = vector.shape_cast %get3A_318 : vector<1x1x16xf32> to vector<16xf32>
        %add3A_320 = arith.addf %add3A_292, %get3A_319 : vector<16xf32>
        %get3A_321 = arith.index_cast %rem3A_31 : i32 to index
        %get3A_322 = arith.index_cast %add3A_302 : i32 to index
        %get3A_323 = arith.constant 48 : index
        %get3A_324 = tpu.vector_load %arg6[%get3A_321, %get3A_322, %get3A_323] {strides = array<i32>} : memref<2x200x128xf32, #tpu.memory_space<vmem>>, vector<1x1x16xf32>,
        %get3A_325 = vector.shape_cast %get3A_324 : vector<1x1x16xf32> to vector<16xf32>
        %add3A_326 = arith.addf %add3A_298, %get3A_325 : vector<16xf32>
        scf.yield %add3A_308, %add3A_314, %add3A_320, %add3A_326 : vector<16xf32>, vector<16xf32>, vector<16xf32>, vector<16xf32>
      }
      %scan3A_67 = arith.constant 25 : i32
      %mul3A_68 = arith.constant 5.000000e-03 : f32
      %mul3A_69 = vector.broadcast %mul3A_68 : f32 to vector<16xf32>
      %mul3A_70 = arith.mulf %scan3A_66#0, %mul3A_69 : vector<16xf32>
      %swap3A = arith.index_cast %scan3A_30 : i32 to index
      %swap3A_71 = arith.constant 0 : index
      %swap3A_72 = tpu.vector_load %arg7[%swap3A, %swap3A_71] {strides = array<i32>} : memref<128x64xf32, #tpu.memory_space<vmem>>, vector<1x16xf32>,
      %swap3A_73 = vector.shape_cast %swap3A_72 : vector<1x16xf32> to vector<16xf32>
      %swap3A_74 = vector.shape_cast %mul3A_70 : vector<16xf32> to vector<1x16xf32>
      tpu.vector_store %arg7[%swap3A, %swap3A_71], %swap3A_74 {strides = array<i32>} : memref<128x64xf32, #tpu.memory_space<vmem>>, vector<1x16xf32>,
      %mul3A_75 = arith.constant 5.000000e-03 : f32
      %mul3A_76 = vector.broadcast %mul3A_75 : f32 to vector<16xf32>
      %mul3A_77 = arith.mulf %scan3A_66#1, %mul3A_76 : vector<16xf32>
      %swap3A_78 = arith.index_cast %scan3A_30 : i32 to index
      %swap3A_79 = arith.constant 16 : index
      %swap3A_80 = tpu.vector_load %arg7[%swap3A_78, %swap3A_79] {strides = array<i32>} : memref<128x64xf32, #tpu.memory_space<vmem>>, vector<1x16xf32>,
      %swap3A_81 = vector.shape_cast %swap3A_80 : vector<1x16xf32> to vector<16xf32>
      %swap3A_82 = vector.shape_cast %mul3A_77 : vector<16xf32> to vector<1x16xf32>
      tpu.vector_store %arg7[%swap3A_78, %swap3A_79], %swap3A_82 {strides = array<i32>} : memref<128x64xf32, #tpu.memory_space<vmem>>, vector<1x16xf32>,
      %mul3A_83 = arith.constant 5.000000e-03 : f32
      %mul3A_84 = vector.broadcast %mul3A_83 : f32 to vector<16xf32>
      %mul3A_85 = arith.mulf %scan3A_66#2, %mul3A_84 : vector<16xf32>
      %swap3A_86 = arith.index_cast %scan3A_30 : i32 to index
      %swap3A_87 = arith.constant 32 : index
      %swap3A_88 = tpu.vector_load %arg7[%swap3A_86, %swap3A_87] {strides = array<i32>} : memref<128x64xf32, #tpu.memory_space<vmem>>, vector<1x16xf32>,
      %swap3A_89 = vector.shape_cast %swap3A_88 : vector<1x16xf32> to vector<16xf32>
      %swap3A_90 = vector.shape_cast %mul3A_85 : vector<16xf32> to vector<1x16xf32>
      tpu.vector_store %arg7[%swap3A_86, %swap3A_87], %swap3A_90 {strides = array<i32>} : memref<128x64xf32, #tpu.memory_space<vmem>>, vector<1x16xf32>,
      %mul3A_91 = arith.constant 5.000000e-03 : f32
      %mul3A_92 = vector.broadcast %mul3A_91 : f32 to vector<16xf32>
      %mul3A_93 = arith.mulf %scan3A_66#3, %mul3A_92 : vector<16xf32>
      %swap3A_94 = arith.index_cast %scan3A_30 : i32 to index
      %swap3A_95 = arith.constant 48 : index
      %swap3A_96 = tpu.vector_load %arg7[%swap3A_94, %swap3A_95] {strides = array<i32>} : memref<128x64xf32, #tpu.memory_space<vmem>>, vector<1x16xf32>,
      %swap3A_97 = vector.shape_cast %swap3A_96 : vector<1x16xf32> to vector<16xf32>
      %swap3A_98 = vector.shape_cast %mul3A_93 : vector<16xf32> to vector<1x16xf32>
      tpu.vector_store %arg7[%swap3A_94, %swap3A_95], %swap3A_98 {strides = array<i32>} : memref<128x64xf32, #tpu.memory_space<vmem>>, vector<1x16xf32>,
    }
    %scan3A_29 = arith.constant 128 : i32
    "tpu.region"() ({
      %run_scoped3A = tpu.sem_alloc : memref<!tpu.dma_semaphore, #tpu.memory_space<semaphore_mem>>
      %dma_start3A_30 = arith.constant 0 : i32
      %dma_start3A_31 = tpu.memref_slice %arg4[%mul3A_2, %dma_start3A_30] : memref<4096x64xf32, #tpu.memory_space<hbm>> -> memref<128x64xf32, #tpu.memory_space<hbm>>
      %dma_start3A_32 = arith.constant 0 : i32
      %dma_start3A_33 = tpu.memref_slice %arg4[%mul3A_2, %dma_start3A_32] : memref<4096x64xf32, #tpu.memory_space<hbm>> -> memref<128x64xf32, #tpu.memory_space<hbm>>
      tpu.enqueue_dma source(%arg7 : memref<128x64xf32, #tpu.memory_space<vmem>>) target(%dma_start3A_33 : memref<128x64xf32, #tpu.memory_space<hbm>>) target_semaphore(%run_scoped3A : memref<!tpu.dma_semaphore, #tpu.memory_space<semaphore_mem>>)
      %dma_wait3A = arith.constant 0 : i32
      %dma_wait3A_34 = tpu.memref_slice %arg4[%mul3A_2, %dma_wait3A] : memref<4096x64xf32, #tpu.memory_space<hbm>> -> memref<128x64xf32, #tpu.memory_space<hbm>>
      %dma_wait3A_35 = arith.constant 0 : i32
      %dma_wait3A_36 = tpu.memref_slice %arg4[%mul3A_2, %dma_wait3A_35] : memref<4096x64xf32, #tpu.memory_space<hbm>> -> memref<128x64xf32, #tpu.memory_space<hbm>>
      tpu.wait_dma2 semaphore(%run_scoped3A : memref<!tpu.dma_semaphore, #tpu.memory_space<semaphore_mem>>) src(%arg7 : memref<128x64xf32, #tpu.memory_space<vmem>>) dst(%dma_wait3A_36 : memref<128x64xf32, #tpu.memory_space<hbm>>)
      tpu.yield
    }) : () -> ()
    return
  }
}

module attributes {stable_mosaic.version = 14 : i64} {
  func.func @_xpose_body(%arg0: i32, %arg1: memref<64x16384xf32, #tpu.memory_space<vmem>>, %arg2: memref<16384x128xf32, #tpu.memory_space<vmem>>) attributes {dimension_semantics = [#tpu.dimension_semantics<arbitrary>], iteration_bounds = array<i64: 62>, scalar_prefetch = 0 : i64, scratch_operands = 0 : i64, tpu.core_type = #tpu.core_type<tc>, window_params = [{transform_indices = @transform_0, window_bounds = array<i64: 64, 16384>}, {transform_indices = @transform_1, window_bounds = array<i64: 16384, 128>}]} {
    %get3A = arith.constant 0 : index
    %get3A_0 = arith.constant 0 : index
    %get3A_1 = vector.load %arg1[%get3A, %get3A_0] : memref<64x16384xf32, #tpu.memory_space<vmem>>, vector<64x16384xf32>
    %iota3A = tpu.iota {dimensions = array<i32: 0>} : vector<64x64xi32>
    %iota3A_2 = tpu.iota {dimensions = array<i32: 1>} : vector<64x64xi32>
    %eq3A = arith.cmpi eq, %iota3A, %iota3A_2 : vector<64x64xi32>
    %convert_element_type3A = arith.extui %eq3A : vector<64x64xi1> to vector<64x64xi32>
    %convert_element_type3A_3 = arith.sitofp %convert_element_type3A : vector<64x64xi32> to vector<64x64xf32>
    %dot_general3A = arith.constant dense<0.000000e+00> : vector<16384x64xf32>
    %dot_general3A_4 = tpu.matmul %get3A_1, %convert_element_type3A_3, %dot_general3A {dimension_numbers = #tpu.dot_dimension_numbers<[0], [0], [1], [1], [0, 1, 1, 1], [], []>, transpose_lhs_hint = false} : vector<64x16384xf32>, vector<64x64xf32>, vector<16384x64xf32> -> vector<16384x64xf32>
    %concatenate3A = tpu.concatenate %dot_general3A_4, %dot_general3A_4 in 1 : vector<16384x64xf32>, vector<16384x64xf32> -> vector<16384x128xf32>
    %swap3A = arith.constant 0 : index
    %swap3A_5 = arith.constant 0 : index
    %swap3A_6 = vector.load %arg2[%swap3A, %swap3A_5] : memref<16384x128xf32, #tpu.memory_space<vmem>>, vector<16384x128xf32>
    tpu.vector_store %arg2[%swap3A, %swap3A_5], %concatenate3A {strides = array<i32>} : memref<16384x128xf32, #tpu.memory_space<vmem>>, vector<16384x128xf32>,
    return
  }
  func.func @transform_0(%arg0: i32) -> (i32, i32) {
    %c0_i32 = arith.constant 0 : i32
    %c0_i32_0 = arith.constant 0 : i32
    return %c0_i32, %arg0 : i32, i32
  }
  func.func @transform_1(%arg0: i32) -> (i32, i32) {
    %c0_i32 = arith.constant 0 : i32
    %c0_i32_0 = arith.constant 0 : i32
    return %arg0, %c0_i32 : i32, i32
  }
}

</mosaic_0001>

<sc_bundles>
// kernel: _encoder.4.cloned.1.call-start
scs
__scs_entry_jumppad:
0x0: {  	(pc) =	sbr.rel $0x88, $3  }
0x1: {  	(tag) =	ssettag $0x0;
	lr =	simm.s32 $0x1  }
0x2: {  	[smem:$0x3F9F] =	sst lr;
	_ =	strace $0xD0000000  }
0x3: {  	_ = 	snop  }
0x4: {  	_ = 	snop  }
0x5: {  	_ = 	snop  }
0x6: {  	_ = 	snop  }
0x7: {  	_ = 	snop  }
__scs_overlays_trampoline_lowered:
0x8: {  	[smem:$0x3FAE] =	sst s0  }
0x9: {  	[smem:$0x3FAF] =	sst s1  }
0xa: {  	[smem:$0x3FB0] =	sst s2  }
0xb: {  	[smem:$0x3FB1] =	sst s3  }
0xc: {  	[smem:$0x3FB2] =	sst s4  }
0xd: {  	[smem:$0x3FB3] =	sst s5  }
0xe: {  	[smem:$0x3FB4] =	sst s6  }
0xf: {  	[smem:$0x3FB5] =	sst s7  }
0x10: {  	[smem:$0x3FB6] =	sst s8  }
0x11: {  	[smem:$0x3FB7] =	sst s9;
	s0 =	simm.s32 @!p0 $0x0  }
0x12: {  	s1 =	sld [smem:$0x3F9D];
	s0 =	simm.s32 @p0 $0x1  }
0x13: {  	[smem:$0x3FB8] =	sst s0;
	s0 =	simm.s32 @!p1 $0x0  }
0x14: {  	s2 =	sld [smem:$0x3F9C];
	s0 =	simm.s32 @p1 $0x1  }
0x15: {  	[smem:$0x3FB9] =	sst s0;
	s0 =	simm.s32 @!p2 $0x0  }
0x16: {  	s3 =	sld [smem:$0x3FDB];
	s0 =	simm.s32 @p2 $0x1  }
0x17: {  	s4 =	simm.s32 $0x1BF5;
	[smem:$0x3FBB] =	sst s0  }
0x18: {  	s0 =	sld [smem:$0x3F9E];
	_ =	swait.ge [sflag:s4], $0x0  }
0x19: {  	s7 =	sld [smem:$0x3F9F]  }
0x1a: {  	s8 =	sadd.s32 $0xFFFFE003, lr  }
0x1b: {  	s9 =	sadd.s32 $0xFFFFFEF7, lr;
	s5 =	simm.s32 $0xFFFFFFFF;
	p2 =	slt.u32 s8, $0xFFFFF086  }
0x1c: {  	p1 =	slt.u32 s9, $0xF7A;
	s5 =	simm.s32 @!p2 $0x0  }
0x1d: {  	s5 =	simm.s32 @p1 $0x1;
	p0 =	seq.s32 s7, s2  }
0x1e: {  	s7 =	smul.u32 @!p0 $0xF7A, s2;
	p2 =	seq.s32 @!p0 s5, $0x0  }
0x1f: {  	s9 =	smul.u32 $0xF7A, s1;
	s8 =	simm.s32 @!p0 $0x1BF5;
	p2 =	por !p2, p0  }
0x20: {  	[sflag:s8] =	ssyncset.s32 @!p0 $0xFFFFF086;
	s6 =	sadd.s32 @!p0 s3, s7;
	s7 =	simm.s32 @!p0 $0x108  }
0x21: {  	s3 =	sadd.s32 s3, s9;
	s6 =	sadd.s32 @!p0 $0x88, s6;
	s7 =	simm.s32 @p2 $0x1082  }
0x22: {  	[simem:s7], [sflag:s8] =	dma.local @!p0 [hbm:s6], $0xF7A  }
0x23: {  	s9 =	sor.u32 $0xD0000000, s2;
	s6 =	simm.s32 $0x108;
	_ =	swait.ge @!p0 [sflag:s8], $0x0  }
0x24: {  	s3 =	sadd.s32 $0x88, s3;
	s6 =	simm.s32 @!p1 $0x1082;
	[sflag:s4] =	ssyncset.s32 $0xFFFFF086  }
0x25: {  	[simem:s6], [sflag:s4] =	dma.local [hbm:s3], $0xF7A  }
0x26: {  	[smem:$0x3F9F] =	sst s1;
	(tag) =	ssettag s2;
	_ =	strace s9  }
0x27: {  	s1 =	sld [smem:$0x3FAF]  }
0x28: {  	s2 =	sld [smem:$0x3FB0]  }
0x29: {  	s4 =	sld [smem:$0x3FB2]  }
0x2a: {  	p0 =	seq.s32 s5, $0x0;
	s5 =	sld [smem:$0x3FB3]  }
0x2b: {  	s6 =	sld [smem:$0x3FB4]  }
0x2c: {  	s7 =	sld [smem:$0x3FB5]  }
0x2d: {  	s3 =	simm.s32 $0x108;
	s8 =	sld [smem:$0x3FB6]  }
0x2e: {  	s3 =	simm.s32 @!p0 $0x1082;
	s9 =	sld [smem:$0x3FB7]  }
0x2f: {  	lr =	sadd.s32 s0, s3;
	s0 =	sld [smem:$0x3FAE]  }
0x30: {  	s3 =	sld [smem:$0x3FB1]  }
0x31: {  	[smem:$0x3FBA] =	sst s10  }
0x32: {  	s10 =	sld [smem:$0x3FB8];
	_ =	sdelay $0x3  }
0x33: {  	p0 =	seq.s32 s10, $0x1;
	s10 =	sld [smem:$0x3FBA];
	_ =	sdelay $0x3  }
0x34: {  	[smem:$0x3FBA] =	sst s10  }
0x35: {  	s10 =	sld [smem:$0x3FB9];
	_ =	sdelay $0x3  }
0x36: {  	p1 =	seq.s32 s10, $0x1;
	s10 =	sld [smem:$0x3FBA];
	_ =	sdelay $0x3  }
0x37: {  	[smem:$0x3FBA] =	sst s10  }
0x38: {  	s10 =	sld [smem:$0x3FBB]  }
0x39: {  	_ = 	snop;
	(pc) =	sbr.ind lr, $3  }
0x3a: {  	_ = 	snop  }
0x3b: {  	_ = 	snop  }
0x3c: {  	p2 =	seq.s32 s10, $0x1;
	s10 =	sld [smem:$0x3FBA]  }
0x3d: {  	_ =	shalt  }
0x3e: {  	_ =	shalt  }
0x3f: {  	_ =	shalt  }
0x40: {  	_ =	shalt  }
0x41: {  	_ =	shalt  }
0x42: {  	_ =	shalt  }
0x43: {  	_ =	shalt  }
0x44: {  	_ =	shalt  }
0x45: {  	_ =	shalt  }
0x46: {  	_ =	shalt  }
0x47: {  	_ =	shalt  }
0x48: {  	_ =	shalt  }
0x49: {  	_ =	shalt  }
0x4a: {  	_ =	shalt  }
0x4b: {  	_ =	shalt  }
0x4c: {  	_ =	shalt  }
0x4d: {  	_ =	shalt  }
0x4e: {  	_ =	shalt  }
0x4f: {  	_ =	shalt  }
0x50: {  	_ =	shalt  }
0x51: {  	_ =	shalt  }
0x52: {  	_ =	shalt  }
0x53: {  	_ =	shalt  }
0x54: {  	_ =	shalt  }
0x55: {  	_ =	shalt  }
0x56: {  	_ =	shalt  }
0x57: {  	_ =	shalt  }
0x58: {  	_ =	shalt  }
0x59: {  	_ =	shalt  }
0x5a: {  	_ =	shalt  }
0x5b: {  	_ =	shalt  }
0x5c: {  	_ =	shalt  }
0x5d: {  	_ =	shalt  }
0x5e: {  	_ =	shalt  }
0x5f: {  	_ =	shalt  }
0x60: {  	_ =	shalt  }
0x61: {  	_ =	shalt  }
0x62: {  	_ =	shalt  }
0x63: {  	_ =	shalt  }
0x64: {  	_ =	shalt  }
0x65: {  	_ =	shalt  }
0x66: {  	_ =	shalt  }
0x67: {  	_ =	shalt  }
0x68: {  	_ =	shalt  }
0x69: {  	_ =	shalt  }
0x6a: {  	_ =	shalt  }
0x6b: {  	_ =	shalt  }
0x6c: {  	_ =	shalt  }
0x6d: {  	_ =	shalt  }
0x6e: {  	_ =	shalt  }
0x6f: {  	_ =	shalt  }
0x70: {  	_ =	shalt  }
0x71: {  	_ =	shalt  }
0x72: {  	_ =	shalt  }
0x73: {  	_ =	shalt  }
0x74: {  	_ =	shalt  }
0x75: {  	_ =	shalt  }
0x76: {  	_ =	shalt  }
0x77: {  	_ =	shalt  }
0x78: {  	_ =	shalt  }
0x79: {  	_ =	shalt  }
0x7a: {  	_ =	shalt  }
0x7b: {  	_ =	shalt  }
0x7c: {  	_ =	shalt  }
0x7d: {  	_ =	shalt  }
0x7e: {  	_ =	shalt  }
0x7f: {  	_ =	shalt  }
0x80: {  	_ =	shalt  }
0x81: {  	_ =	shalt  }
0x82: {  	_ =	shalt  }
0x83: {  	_ =	shalt  }
0x84: {  	_ =	shalt  }
0x85: {  	_ =	shalt  }
0x86: {  	_ =	shalt  }
0x87: {  	_ =	shalt  }
.Lfunc_end0:
.L_simem_size_0:
called_computation_lowered:
.L_overlay_start_0:
0x88: {  	s2 =	sld [smem:$0x3FD9]  }
0x89: {  	s3 =	sld [smem:$0x3FFE];
	_ =	sdelay $0x1  }
0x8a: {  	s1 =	srdreg.scid  }
0x8b: {  	s0 =	sand.u32 $0x1, s1  }
0x8c: {  	s16 =	sshll.u32 s0, $0xA;
	s2 =	sadd.s32 s3, s2  }
0x8d: {  	s2 =	sadd.s32 s2, s16  }
0x8e: {  	[smem:$0x3FC6] =	sst s2  }
0x8f: {  	_ = 	snop  }
0x90: {  	(tm) =	ssettm $0x1  }
0x91: {  	s17 =	sld [smem:$0x3FFB];
	_ =	sdelay $0x3  }
0x92: {  	_ =	strace s17  }
0x93: {  	s2 =	sld [smem:$0x3FFC];
	_ =	sdelay $0x3  }
0x94: {  	_ =	strace s2  }
0x95: {  	s2 =	sld [smem:$0x3FFD];
	_ =	sdelay $0x3  }
0x96: {  	_ =	strace s2  }
0x97: {  	_ =	strace $0x8FFFFFFF  }
0x98: {  	s18 =	sld [smem:$0x3FDB];
	_ =	sdelay $0x1  }
0x99: {  	s19 =	simm.s32 $_scs_section_size  }
0x9a: {  	s4 =	simm.s32 $_size__tile_overlayer_lowered;
	s5 =	simm.s32 $_tile_overlayer_lowered  }
0x9b: {  	s22 =	simm.s32 $0x1BFF;
	s21 =	sshll.u32 s5, $0x1;
	s2 =	sadd.s32 s19, s18  }
0x9c: {  	s6 =	simm.s32 $0x0;
	s20 =	sshll.u32 s4, $0x1;
	s4 =	sadd.s32 s21, s2  }
0x9d: {  	[timem:s6], [sflag:s22] =	dma.local [hbm:s4], s20  }
0x9e: {  	_ =	swait.ge [sflag:s22], s20  }
0x9f: {  	s3 =	ssub.s32 $0x0, s20;
	[sflag:s22] =	ssyncset.done $0x0  }
0xa0: {  	[sflag:s22] =	ssyncadd.s32 s3;
	_ =	sdelay $0x1  }
0xa1: {  	s23 =	simm.s32 $0x1B8B  }
0xa2: {  	_ =	swait.ge [sflag:s23], $0x1  }
0xa3: {  	[sflag:s23] =	ssyncset.done $0x0  }
0xa4: {  	s25 =	simm.s32 $0x1B8E;
	s24 =	sld [smem:$0x3FFE];
	[sflag:s23] =	ssyncadd.s32 $0xFFFFFFFF  }
0xa5: {  	s26 =	simm.s32 $execute0_lowered;
	[smem:$0x3FD2] =	sst s25  }
0xa6: {  	s4 =	sshll.u32 s26, $0x1;
	_ =	strace $0x80000046;
	[dreg:$0x1] =	wrdreg $0xFFFFFFFF  }
0xa7: {  	s28 =	simm.s32 $_size_execute0_lowered;
	s2 =	sadd.s32 s2, s4;
	[dreg:$0x0] =	wrdreg $0x0  }
0xa8: {  	s4 =	sshll.u32 s28, $0x1;
	[dreg:$0x2] =	wrdreg s2  }
0xa9: {  	[dreg:$0x3] =	wrdreg s4  }
0xaa: {  	[dreg:$0x4] =	wrdreg $0xC0  }
0xab: {  	_ =	task [dreg:s6], $0x5FFFF  }
0xac: {  	[dreg:$0x1] =	wrdreg $0xFFFFFFFF  }
0xad: {  	[dreg:$0x0] =	wrdreg $0x60  }
0xae: {  	[dreg:$0x2] =	wrdreg s24  }
0xaf: {  	[dreg:$0x3] =	wrdreg $0x9  }
0xb0: {  	_ =	task.clear_ibuf [dreg:s6], $0x4FFFF;
	_ =	strace $0x90000046  }
0xb1: {  	s29 =	simm.s32 $0x9;
	_ =	strace $0x80000048  }
0xb2: {  	_ =	swait.ge [sflag:s29], $0x1  }
0xb3: {  	[sflag:s29] =	ssyncadd.s32 $0xFFFFFFFF  }
0xb4: {  	_ =	strace $0x90000048  }
0xb5: {  	_ =	sfence  }
0xb6: {  	s30 =	sld [smem:$0x0];
	_ =	sdelay $0x2  }
0xb7: {  	s31 =	sshll.u32 s1, $0xD;
	s1 =	sshrl.u32 s1, $0x2  }
0xb8: {  	s3 =	sand.u32 $0x4000, s31;
	s1 =	sadd.s32 s1, s30  }
0xb9: {  	s0 =	sor.u32 s3, s0;
	s1 =	sshll.u32 s1, $0x11  }
0xba: {  	s0 =	sor.u32 s1, s0  }
0xbb: {  	s0 =	sadd.s32 $0x8F2B, s0  }
0xbc: {  	[sflag:s0] =	ssyncadd.remote.s32 $0x1  }
0xbd: {  	_ =	sfence.sel $0xFFFF  }
0xbe: {  	[dreg:$0x0] =	wrdreg $0xFFFFFFFF;
	(pc) =	sbr.abs _section_cstart, $3  }
0xbf: {  	[dreg:$0x1] =	wrdreg $0xFFFFFFFF  }
0xc0: {  	_ =	task.clear_ibuf [dreg:s6], $0x2FFFF;
	_ =	strace $0x9FFFFFFF  }
0xc1: {  	(tm) =	ssettm $0x7FFFFFFF  }
tec
execute0_lowered:
.L_overlay_start_1:
0x0: {  	(tag) =	ssettag $0x1  }
0x1: {  	s4 =	rddreg [dreg:$0x0];
	s2 =	srdreg.scid  }
0x2: {  	s0 =	rddreg [dreg:$0x1];
	s1 =	stileid.u32  }
0x3: {  	s9 =	simm.s32 $0x8000;
	s10 =	simm.s32 $0x48;
	s11 =	simm.s32 $0x400  }
0x4: {  	s12 =	simm.s32 $0xC000;
	s13 =	simm.s32 $0x1;
	s14 =	simm.s32 $0x14800  }
0x5: {  	s15 =	simm.s32 $0x0;
	s3 =	sand.u32 $0x1, s2;
	s2 =	simm.s32 $0x0  }
0x6: {  	s5 =	sshll.u32 s1, $0x8;
	s6 =	sshll.u32 s3, $0x7;
	[smem:$0x7FF] =	sst s2  }
0x7: {  	s7 =	ssub.s32 $0x2, s3;
	s3 =	sadd.s32 $0x20400, s4;
	s5 =	sor.u32 s6, s5  }
0x8: {  	_ =	strace $0x80000047;
	s8 =	sshrl.u32 s7, $0x1;
	s6 =	sshll.u32 s5, $0x5  }
0x9: {  	s5 =	sshll.u32 s5, $0x4;
	s7 =	ssub.s32 s7, s8;
	s6 =	sadd.s32 s6, s4  }
0xa: {  	s8 =	simm.s32 $0x80;
	s5 =	sadd.s32 s5, s4;
	s4 =	sadd.s32 $0x400, s6  }
0xb: {  	s5 =	sadd.s32 $0xF62800, s5;
	s6 =	smax.u32 s7, $0x1;
	s7 =	simm.s32 $0x2  }
.LBB2_1:
0xc: {  	[tilespmem:s2], [sflag:$0x2] =	stream.linear.gather [hbm4b:s4+s2], $0x8000, $0x38;
	[tilespmem:$0x18800] =	vst v63  }
0xd: {  	_ =	swait.ge [sflag:s7], $0x8000  }
0xe: {  	[sflag:s7] =	ssyncset.done $0x0  }
0xf: {  	[sflag:s7] =	ssyncadd.s32 $0xFFFF8000  }
0x10: {  	[tilespmem:s9], [sflag:$0x1] =	stream.indirect.gather [hbm4b:s3+s8], $0x80, s2, s8, $0xb8;
	[tilespmem:$0x18800] =	vst v63  }
0x11: {  	p0 =	por $0x0, $0x0;
	s16 =	simm.s32 $0x0  }
0x12: {  	[tilespmem:s12], [sflag:$0x1] =	stream.indirect.gather [hbm4b:s3+s10], $0x80, s11, s10, $0xb8;
	[tilespmem:$0x18800] =	vst v63  }
.LBB2_2:
0x13: {  	s17 =	simm.s32 $0x1  }
0x14: {  	_ =	swait.ge [sflag:s13], $0x4000;
	s18 =	sand.u32 $0x1, s16;
	s17 =	simm.s32 @!p0 $0x0  }
0x15: {  	p1 =	seq.s32 s16, $0x7F;
	[sflag:s13] =	ssyncset.done $0x0;
	s17 =	smul.u32 $0x19000, s17  }
0x16: {  	s18 =	sxor.u32 @!p1 $0x1, s18;
	[sflag:s13] =	ssyncadd.s32 $0xFFFFC000  }
0x17: {  	s18 =	smul.u32 @!p1 $0x19000, s18;
	_ =	swait.ge [sflag:s13], $0x2400;
	s17 =	sshrl.u32 s17, $0x2  }
0x18: {  	[sflag:s13] =	ssyncset.done $0x0;
	s19 =	sor.u32 $0x8000, s17;
	s17 =	sadd.s32 $0x1, s16  }
0x19: {  	s18 =	sshrl.u32 @!p1 s18, $0x2;
	s20 =	sshll.u32 @!p1 s17, $0x8;
	s21 =	sshll.u32 @!p1 s17, $0x7  }
0x1a: {  	[sflag:s13] =	ssyncadd.s32 $0xFFFFDC00;
	s20 =	sand.u32 @!p1 $0xF800, s20;
	s21 =	sand.u32 @!p1 $0x380, s21  }
0x1b: {  	s22 =	sor.u32 @!p1 $0x8000, s18;
	v0 =	vmov s19;
	s20 =	sor.u32 @!p1 s21, s20;
	s21 =	simm.s32 @!p1 $0x80  }
0x1c: {  	[tilespmem:s22], [sflag:$0x1] =	stream.indirect.gather @!p1 [hbm4b:s3+s21], $0x80, s20, s21, $0xb8;
	[tilespmem:$0x18800] =	vst v63  }
0x1d: {  	s18 =	sadd.s32 @!p1 $0xC000, s18;
	s19 =	sor.u32 @!p1 $0x400, s20;
	s20 =	simm.s32 @!p1 $0x48  }
0x1e: {  	[tilespmem:s18], [sflag:$0x1] =	stream.indirect.gather @!p1 [hbm4b:s3+s20], $0x80, s19, s20, $0xb8;
	[tilespmem:$0x18800] =	vst v63  }
0x1f: {  	s18 =	simm.s32 $0x0  }
0x20: {  	v3 =	vld.idx.msk [tilespmem:v0+s18+$0x380 ss:$0x1], $0xffff  }
0x21: {  	v4 =	vld.idx.msk [tilespmem:v0+s18+$0x390 ss:$0x1], $0xffff  }
0x22: {  	v1 =	vld.idx.msk [tilespmem:v0+s18+$0x300 ss:$0x1], $0xffff  }
0x23: {  	v2 =	vld.idx.msk [tilespmem:v0+s18+$0x310 ss:$0x1], $0xffff  }
0x24: {  	v5 =	vld.idx.msk [tilespmem:v0+s18+$0x280 ss:$0x1], $0xffff  }
0x25: {  	v6 =	vld.idx.msk [tilespmem:v0+s18+$0x290 ss:$0x1], $0xffff  }
0x26: {  	v7 =	vld.idx.msk [tilespmem:v0+s18+$0x200 ss:$0x1], $0xffff  }
0x27: {  	v8 =	vld.idx.msk [tilespmem:v0+s18+$0x210 ss:$0x1], $0xffff  }
0x28: {  	v10 =	vld.idx.msk [tilespmem:v0+s18+$0x180 ss:$0x1], $0xffff  }
0x29: {  	v9 =	vld.idx.msk [tilespmem:v0+s18+$0x190 ss:$0x1], $0xffff  }
0x2a: {  	v12 =	vld.idx.msk [tilespmem:v0+s18+$0x100 ss:$0x1], $0xffff  }
0x2b: {  	v11 =	vld.idx.msk [tilespmem:v0+s18+$0x110 ss:$0x1], $0xffff  }
0x2c: {  	v18 =	vld.idx.msk [tilespmem:v0+s18+$0x80 ss:$0x1], $0xffff  }
0x2d: {  	v17 =	vld.idx.msk [tilespmem:v0+s18+$0x90 ss:$0x1], $0xffff  }
0x2e: {  	v20 =	vld.idx.msk [tilespmem:v0+s18+$0x0 ss:$0x1], $0xffff  }
0x2f: {  	v14 =	vimm.f32 $0.0e+00;
	v21 =	vld.idx.msk [tilespmem:v0+s18+$0x10 ss:$0x1], $0xffff  }
0x30: {  	v16 =	vimm.f32 $0.0e+00;
	v15 =	vimm.f32 $0.0e+00;
	v13 =	vimm.f32 $0.0e+00;
	s19 =	simm.s32 $0x1000;
	v19 =	vld.idx.msk [tilespmem:v0+s18+$0x20 ss:$0x1], $0xffff  }
.LBB2_3:
0x31: {  	p1 =	sne.s32 s19, $0x18000;
	v22 =	vld.idx.msk [tilespmem:v0+s18+$0x30 ss:$0x1], $0xffff  }
0x32: {  	v23 =	vld.idx.msk [tilespmem:v0+s18+$0xA0 ss:$0x1], $0xffff  }
0x33: {  	v24 =	vld.idx.msk [tilespmem:v0+s18+$0xB0 ss:$0x1], $0xffff  }
0x34: {  	v25 =	vld.idx.msk [tilespmem:v0+s18+$0x120 ss:$0x1], $0xffff  }
0x35: {  	v26 =	vld.idx.msk [tilespmem:v0+s18+$0x130 ss:$0x1], $0xffff  }
0x36: {  	v14 =	vadd.f32 v20, v14;
	v16 =	vadd.f32 v21, v16;
	v20 =	vld.idx.msk [tilespmem:v0+s18+$0x1A0 ss:$0x1], $0xffff  }
0x37: {  	v15 =	vadd.f32 v19, v15;
	v13 =	vadd.f32 v22, v13;
	v19 =	vld.idx.msk [tilespmem:v0+s18+$0x1B0 ss:$0x1], $0xffff  }
0x38: {  	v14 =	vadd.f32 v18, v14;
	v16 =	vadd.f32 v17, v16;
	v17 =	vld.idx.msk [tilespmem:v0+s18+$0x220 ss:$0x1], $0xffff  }
0x39: {  	v15 =	vadd.f32 v23, v15;
	v13 =	vadd.f32 v24, v13;
	v18 =	vld.idx.msk [tilespmem:v0+s18+$0x230 ss:$0x1], $0xffff  }
0x3a: {  	v12 =	vadd.f32 v12, v14;
	v11 =	vadd.f32 v11, v16;
	v14 =	vld.idx.msk [tilespmem:v0+s18+$0x2A0 ss:$0x1], $0xffff  }
0x3b: {  	v15 =	vadd.f32 v25, v15;
	v13 =	vadd.f32 v26, v13;
	v16 =	vld.idx.msk [tilespmem:v0+s18+$0x2B0 ss:$0x1], $0xffff  }
0x3c: {  	v10 =	vadd.f32 v10, v12;
	v9 =	vadd.f32 v9, v11;
	v11 =	vld.idx.msk [tilespmem:v0+s18+$0x320 ss:$0x1], $0xffff  }
0x3d: {  	v12 =	vadd.f32 v20, v15;
	v13 =	vadd.f32 v19, v13;
	v15 =	vld.idx.msk [tilespmem:v0+s18+$0x330 ss:$0x1], $0xffff  }
0x3e: {  	v7 =	vadd.f32 v7, v10;
	v8 =	vadd.f32 v8, v9;
	v9 =	vld.idx.msk [tilespmem:v0+s18+$0x3A0 ss:$0x1], $0xffff  }
0x3f: {  	v10 =	vadd.f32 v17, v12;
	v12 =	vadd.f32 v18, v13;
	v13 =	vld.idx.msk [tilespmem:v0+s18+$0x3B0 ss:$0x1], $0xffff;
	s18 =	sshra.s32 s19, $0x2  }
0x40: {  	v5 =	vadd.f32 v5, v7;
	v6 =	vadd.f32 v6, v8;
	v17 =	vld.idx.msk [tilespmem:v0+s18+$0x380 ss:$0x1], $0xffff  }
0x41: {  	v7 =	vadd.f32 v14, v10;
	v8 =	vadd.f32 v16, v12;
	v18 =	vld.idx.msk [tilespmem:v0+s18+$0x390 ss:$0x1], $0xffff  }
0x42: {  	v10 =	vadd.f32 v1, v5;
	v6 =	vadd.f32 v2, v6;
	v1 =	vld.idx.msk [tilespmem:v0+s18+$0x300 ss:$0x1], $0xffff  }
0x43: {  	v7 =	vadd.f32 v11, v7;
	v8 =	vadd.f32 v15, v8;
	v2 =	vld.idx.msk [tilespmem:v0+s18+$0x310 ss:$0x1], $0xffff  }
0x44: {  	v14 =	vadd.f32 v3, v10;
	v16 =	vadd.f32 v4, v6;
	v5 =	vld.idx.msk [tilespmem:v0+s18+$0x280 ss:$0x1], $0xffff  }
0x45: {  	v15 =	vadd.f32 v9, v7;
	v13 =	vadd.f32 v13, v8;
	v6 =	vld.idx.msk [tilespmem:v0+s18+$0x290 ss:$0x1], $0xffff  }
0x46: {  	v3 =	vmov v17;
	v7 =	vld.idx.msk [tilespmem:v0+s18+$0x200 ss:$0x1], $0xffff  }
0x47: {  	v4 =	vmov v18;
	v8 =	vld.idx.msk [tilespmem:v0+s18+$0x210 ss:$0x1], $0xffff  }
0x48: {  	v10 =	vld.idx.msk [tilespmem:v0+s18+$0x180 ss:$0x1], $0xffff  }
0x49: {  	v9 =	vld.idx.msk [tilespmem:v0+s18+$0x190 ss:$0x1], $0xffff  }
0x4a: {  	v12 =	vld.idx.msk [tilespmem:v0+s18+$0x100 ss:$0x1], $0xffff  }
0x4b: {  	v11 =	vld.idx.msk [tilespmem:v0+s18+$0x110 ss:$0x1], $0xffff  }
.Ltmp0:
0x4c: {  	v18 =	vld.idx.msk [tilespmem:v0+s18+$0x80 ss:$0x1], $0xffff;
	(pc) =	sbr.rel @p1 .LBB2_3-.Ltmp0, $4  }
0x4d: {  	v17 =	vld.idx.msk [tilespmem:v0+s18+$0x90 ss:$0x1], $0xffff  }
0x4e: {  	v20 =	vld.idx.msk [tilespmem:v0+s18+$0x0 ss:$0x1], $0xffff  }
0x4f: {  	v21 =	vld.idx.msk [tilespmem:v0+s18+$0x10 ss:$0x1], $0xffff  }
0x50: {  	s19 =	sadd.s32 $0x1000, s19;
	v19 =	vld.idx.msk [tilespmem:v0+s18+$0x20 ss:$0x1], $0xffff  }
0x51: {  	_ =	sdelay $0x3  }
0x52: {  	v22 =	vld.idx.msk [tilespmem:v0+s18+$0x30 ss:$0x1], $0xffff  }
0x53: {  	v23 =	vld.idx.msk [tilespmem:v0+s18+$0xA0 ss:$0x1], $0xffff  }
0x54: {  	v24 =	vld.idx.msk [tilespmem:v0+s18+$0xB0 ss:$0x1], $0xffff;
	v14 =	vadd.f32 v20, v14  }
0x55: {  	v46 =	vld.idx.msk [tilespmem:v0+s18+$0x120 ss:$0x1], $0xffff;
	v16 =	vadd.f32 v21, v16  }
0x56: {  	v47 =	vld.idx.msk [tilespmem:v0+s18+$0x130 ss:$0x1], $0xffff;
	v15 =	vadd.f32 v19, v15;
	v14 =	vadd.f32 v18, v14  }
0x57: {  	v48 =	vld.idx.msk [tilespmem:v0+s18+$0x1A0 ss:$0x1], $0xffff;
	v13 =	vadd.f32 v22, v13;
	v16 =	vadd.f32 v17, v16  }
0x58: {  	v49 =	vld.idx.msk [tilespmem:v0+s18+$0x1B0 ss:$0x1], $0xffff;
	v15 =	vadd.f32 v23, v15;
	v12 =	vadd.f32 v12, v14  }
0x59: {  	v50 =	vld.idx.msk [tilespmem:v0+s18+$0x220 ss:$0x1], $0xffff;
	v13 =	vadd.f32 v24, v13;
	v11 =	vadd.f32 v11, v16  }
0x5a: {  	v51 =	vld.idx.msk [tilespmem:v0+s18+$0x230 ss:$0x1], $0xffff;
	v15 =	vadd.f32 v46, v15;
	v10 =	vadd.f32 v10, v12  }
0x5b: {  	v52 =	vld.idx.msk [tilespmem:v0+s18+$0x2A0 ss:$0x1], $0xffff;
	v13 =	vadd.f32 v47, v13;
	v9 =	vadd.f32 v9, v11  }
0x5c: {  	v53 =	vld.idx.msk [tilespmem:v0+s18+$0x2B0 ss:$0x1], $0xffff;
	v15 =	vadd.f32 v48, v15;
	v7 =	vadd.f32 v7, v10  }
0x5d: {  	v54 =	vld.idx.msk [tilespmem:v0+s18+$0x320 ss:$0x1], $0xffff;
	v13 =	vadd.f32 v49, v13;
	v8 =	vadd.f32 v8, v9  }
0x5e: {  	v55 =	vld.idx.msk [tilespmem:v0+s18+$0x330 ss:$0x1], $0xffff;
	v14 =	vadd.f32 v50, v15;
	v5 =	vadd.f32 v5, v7  }
0x5f: {  	v56 =	vld.idx.msk [tilespmem:v0+s18+$0x3A0 ss:$0x1], $0xffff;
	v13 =	vadd.f32 v51, v13;
	v6 =	vadd.f32 v6, v8  }
0x60: {  	v57 =	vld.idx.msk [tilespmem:v0+s18+$0x3B0 ss:$0x1], $0xffff;
	v58 =	vadd.f32 v52, v14;
	v1 =	vadd.f32 v1, v5  }
0x61: {  	v59 =	vadd.f32 v53, v13;
	v2 =	vadd.f32 v2, v6  }
0x62: {  	v60 =	vadd.f32 v54, v58;
	v1 =	vadd.f32 v3, v1  }
0x63: {  	v61 =	vadd.f32 v55, v59;
	v2 =	vadd.f32 v4, v2  }
0x64: {  	s16 =	sshll.u32 s16, $0x7;
	p1 =	sne.s32 s17, $0x80;
	v62 =	vadd.f32 v56, v60;
	v1 =	vmul.f32 $4.999999890e-03, v1  }
.Ltmp1:
0x65: {  	s16 =	sand.u32 $0x3FFFFF80, s16;
	v0 =	vadd.f32 v57, v61;
	v2 =	vmul.f32 $4.999999890e-03, v2;
	(pc) =	sbr.rel @p1 .LBB2_2-.Ltmp1, $4  }
0x66: {  	[tilespmem:s16+$0x14800] =	vst v1;
	v63 =	vmul.f32 $4.999999890e-03, v62  }
0x67: {  	[tilespmem:s16+$0x14810] =	vst v2;
	v0 =	vmul.f32 $4.999999890e-03, v0  }
0x68: {  	[tilespmem:s16+$0x14820] =	vst v63  }
0x69: {  	p0 =	por !p0, !p0;
	[tilespmem:s16+$0x14830] =	vst v0;
	s16 =	smov.u32 s17  }
0x6a: {  	s15 =	sadd.s32 $0x1, s15  }
0x6b: {  	p0 =	sne.s32 s15, s6  }
.Ltmp2:
0x6c: {  	_ = 	snop;
	(pc) =	sbr.rel @p0 .LBB2_1-.Ltmp2, $4  }
0x6d: {  	[hbm4b:s5+s2] =	stream.linear.scatter [tilespmem:s14], [sflag:$0x2], $0x4000, $0x38;
	[tilespmem:$0x18800] =	vst v63  }
0x6e: {  	_ =	swait.ge [sflag:s7], $0x4000  }
0x6f: {  	[sflag:s7] =	ssyncset.done $0x0  }
0x70: {  	[sflag:s7] =	ssyncadd.s32 $0xFFFFC000  }
0x71: {  	_ =	sfence.sel $0x180000  }
0x72: {  	[bflag:$0x0] =	sbarrier.arrive $0xFFFF  }
0x73: {  	p0 =	sne.s32 s1, $0x0;
	_ =	strace $0x90000047  }
0x74: {  	s0 =	sadd.s32 @!p0 $0x100000, s0;
	[bflag:$0x2] =	sbarrier.arrive $0xFFFF  }
0x75: {  	[sflag:s0] =	ssyncadd.tile.s32 @!p0 $0x1;
	_ =	shalt  }
.Lfunc_end2:
_tile_overlayer_lowered:
.L_overlay_start_2:
0x76: {  	(tag) =	ssettag $0x2  }
0x77: {  	s0 =	rddreg [dreg:$0x0];
	s2 =	stileid.u32  }
0x78: {  	s1 =	rddreg [dreg:$0x1];
	p0 =	sne.s32 s2, $0x0  }
0x79: {  	s3 =	rddreg [dreg:$0x2];
	[bflag:$0x3] =	sbarrier.arrive $0xFFFF;
	s2 =	simm.s32 @!p0 $0x1C02  }
0x7a: {  	[timem:s3], [sflag:s2] =	dma.local @!p0 [hbm:s0], s1  }
0x7b: {  	s0 =	simm.s32 @!p0 $0x2  }
0x7c: {  	_ =	swait.ge @!p0 [sflag:s0], s1  }
0x7d: {  	s1 =	ssub.s32 @!p0 $0x0, s1;
	[sflag:s0] =	ssyncset.done @!p0 $0x0  }
0x7e: {  	[sflag:s0] =	ssyncadd.s32 @!p0 s1  }
0x7f: {  	[bflag:$0x3] =	sbarrier.arrive $0xFFFF  }
0x80: {  	_ =	shalt  }

</sc_bundles>
